<compile_context>
chip_gen: v7x
topology: tpu7x:2x2x1
jax: 0.10.2.dev20260603
libtpu: 0.0.44.dev20260713+nightly
codegen_flags: <defaults>
</compile_context>

<pallas_src>
import functools

import jax
import jax.numpy as jnp
from jax.experimental import pallas as pl
from jax.experimental.pallas import tpu as pltpu
from jax.experimental.pallas import tpu_sc as plsc

K = 8192
D = 32
BETA = 0.25
EPS = 1e-5
EOP_TOKEN_ID = 3
PADDING_TOKEN_ID = 2

_RB = 256
_G = 8192 // _RB

_NW = 32
_BPW = 8192 // _NW


_CH = 2048


def _argmin_body(x_ref, ct_ref, x2_ref, c2_ref, idx_ref):
    dot2 = jnp.dot(x_ref[...], ct_ref[...], preferred_element_type=jnp.float32)
    dist = (x2_ref[...] + dot2) + c2_ref[...]
    acc_v = acc_i = None
    for c in range(K // _CH):
        dc = dist[:, c * _CH:(c + 1) * _CH]
        mv = jnp.min(dc, axis=1)
        mi = jnp.argmin(dc, axis=1).astype(jnp.int32) + c * _CH
        if c == 0:
            acc_v = mv.astype(jnp.bfloat16).astype(jnp.float32)
            acc_i = mi
        else:
            take = mv < acc_v
            acc_v = jnp.where(take, mv, acc_v).astype(
                jnp.bfloat16).astype(jnp.float32)
            acc_i = jnp.where(take, mi, acc_i)
    idx_ref[...] = acc_i.reshape(1, 1, _RB)


def _argmin_call(flat, ct, x2, c2):
    return pl.pallas_call(
        _argmin_body,
        grid=(_G,),
        in_specs=[
            pl.BlockSpec((_RB, D), lambda i: (i, 0)),
            pl.BlockSpec((D, K), lambda i: (0, 0)),
            pl.BlockSpec((_RB, 1), lambda i: (i, 0)),
            pl.BlockSpec((1, K), lambda i: (0, 0)),
        ],
        out_specs=pl.BlockSpec((1, 1, _RB), lambda i: (i, 0, 0)),
        out_shape=jax.ShapeDtypeStruct((_G, 1, _RB), jnp.int32),
        compiler_params=pltpu.CompilerParams(
            dimension_semantics=("arbitrary",)),
    )(flat, ct, x2, c2)


def _sc_gather(table_pad, idx_flat):
    mesh = plsc.VectorSubcoreMesh(core_axis_name="c", subcore_axis_name="s")

    @functools.partial(
        pl.kernel,
        mesh=mesh,
        out_type=jax.ShapeDtypeStruct((K, 128), jnp.float32),
        scratch_types=[
            pltpu.VMEM((_BPW,), jnp.int32),
            pltpu.VMEM((_BPW, 128), jnp.float32),
            pltpu.SemaphoreType.DMA,
        ],
    )
    def k(table_hbm, idx_hbm, out_hbm, idx_v, rows_v, sem):
        wid = jax.lax.axis_index("s") * 2 + jax.lax.axis_index("c")
        base = wid * _BPW
        pltpu.sync_copy(idx_hbm.at[pl.ds(base, _BPW)], idx_v)
        pltpu.async_copy(table_hbm.at[idx_v], rows_v, sem).wait()
        pltpu.sync_copy(rows_v, out_hbm.at[pl.ds(base, _BPW)])

    return k(table_pad, idx_flat)


def _epilogue_body(z_ref, zq_ref, ema_ref, zqste_ref, loss_ref, perp_ref):
    z = z_ref[...]
    d = zq_ref[:, :D] - z
    zqste_ref[...] = z + d
    m = jnp.mean(d * d)
    loss_ref[...] = (m + BETA * m).reshape(1, 1)

    ema = ema_ref[...]
    r = jax.lax.broadcasted_iota(jnp.int32, ema.shape, 0)
    c = jax.lax.broadcasted_iota(jnp.int32, ema.shape, 1)
    fi = r * ema.shape[1] + c
    counts = jnp.where((fi == EOP_TOKEN_ID) | (fi == PADDING_TOKEN_ID),
                       0.0, ema)
    counts = jnp.maximum(counts, EPS)
    probs = counts / (jnp.sum(counts) + EPS)
    entropy = -jnp.sum(probs * jnp.log(probs))
    perp_ref[...] = jnp.exp(entropy).reshape(1, 1)


def _epilogue_call(flat, zq, ema2d):
    return pl.pallas_call(
        _epilogue_body,
        out_shape=(
            jax.ShapeDtypeStruct((K, D), jnp.float32),
            jax.ShapeDtypeStruct((1, 1), jnp.float32),
            jax.ShapeDtypeStruct((1, 1), jnp.float32),
        ),
    )(flat, zq, ema2d)


def kernel(z, codebook, ema_cluster_size):
    B, Q, D_in = z.shape
    flat = z.reshape(-1, D_in)
    x2 = jnp.sum(flat ** 2, axis=1, keepdims=True)
    c2 = jnp.sum(codebook ** 2, axis=1).reshape(1, K)
    xr = flat.astype(jnp.bfloat16).astype(jnp.float32)
    ct = (-2.0 * codebook).astype(jnp.bfloat16).astype(jnp.float32).T
    idx3 = _argmin_call(xr, ct, x2, c2)
    idx_flat = idx3.reshape(-1)
    table_pad = jnp.pad(codebook, ((0, 0), (0, 128 - D)))
    zq = _sc_gather(table_pad, idx_flat)
    zqste, loss, perp = _epilogue_call(flat, zq,
                                       ema_cluster_size.reshape(8, K // 8))
    return (zqste.reshape(B, Q, D_in), loss[0, 0],
            idx_flat.reshape(B, Q), perp[0, 0])

# --- scband reference (transcript-rebuilt; emitter-appended) ---
"""Pipeline reference for scband-vector-quantizer-78606491452559 (READ-ONLY COPY).

The authoritative reference and input builder live on the scoring server;
editing this copy changes nothing except your own understanding.
"""

import jax, jax.numpy as jnp
import numpy as np

K = 8192
D = 32
BETA = 0.25
EPS = 1e-5
EOP_TOKEN_ID = 3
PADDING_TOKEN_ID = 2


def setup_inputs(seed: int = 0) -> dict:
    key = jax.random.key(seed)
    k1, k2 = jax.random.split(key)
    z = jax.random.normal(k1, (8, 1024, D), dtype=jnp.float32)
    codebook = jax.random.normal(k2, (K, D), dtype=jnp.float32)
    ema_cluster_size = jnp.zeros((K,), dtype=jnp.float32)
    return {"z": z, "codebook": codebook, "ema_cluster_size": ema_cluster_size}


def reference(z, codebook, ema_cluster_size):
    # Eval-mode forward of VectorQuantizer (no buffer updates / EMA update / resets).
    B, Q, D_input = z.shape
    flat_input = z.reshape(-1, D)
    dist_sq_input = jnp.sum(flat_input ** 2, axis=1, keepdims=True)
    dist_sq_codebook = jnp.sum(codebook ** 2, axis=1)
    dist_dot_product = -2.0 * (flat_input @ codebook.T)
    distances = dist_sq_input + dist_dot_product + dist_sq_codebook
    indices = jnp.argmin(distances, axis=1)
    z_q = jnp.take(codebook, indices, axis=0).reshape(B, Q, D)
    codebook_loss = jnp.mean((z_q - jax.lax.stop_gradient(z)) ** 2)
    commitment_loss = jnp.mean((z - jax.lax.stop_gradient(z_q)) ** 2)
    vq_loss = codebook_loss + BETA * commitment_loss
    z_q_ste = z + jax.lax.stop_gradient(z_q - z)
    # ema=True path: counts come from ema_cluster_size buffer
    counts = ema_cluster_size
    counts = counts.at[EOP_TOKEN_ID].set(0.0)
    counts = counts.at[PADDING_TOKEN_ID].set(0.0)
    counts = jnp.maximum(counts, EPS)
    probs = counts / (jnp.sum(counts) + EPS)
    entropy = -jnp.sum(probs.astype(jnp.float32) * jnp.log(probs.astype(jnp.float32)))
    perplexity = jax.lax.stop_gradient(jnp.exp(entropy).astype(jnp.float32))
    return (z_q_ste, vq_loss, indices.reshape(B, Q), perplexity)

if __name__ == "__main__":
    import jax
    _d = setup_inputs()
    print(jax.jit(kernel)(*tuple(_d.values())))

</pallas_src>

<mosaic_0001>
#map = affine_map<(d0, d1) -> (0, 0)>
#map1 = affine_map<(d0, d1) -> (0)>
module attributes {stable_mosaic.version = 14 : i64} {
  func.func @k(%arg0: i32, %arg1: i32, %arg2: memref<8192x128xf32, #tpu.memory_space<hbm>>, %arg3: memref<8192xi32, #tpu.memory_space<hbm>>, %arg4: memref<8192x128xf32, #tpu.memory_space<hbm>>, %arg5: memref<256xi32, #tpu.memory_space<vmem>>, %arg6: memref<256x128xf32, #tpu.memory_space<vmem>>, %arg7: memref<!tpu.dma_semaphore, #tpu.memory_space<semaphore_mem>>) attributes {dimension_semantics = [#tpu.dimension_semantics<core_parallel>, #tpu.dimension_semantics<subcore_parallel>], iteration_bounds = array<i64: 2, 16>, scalar_prefetch = 0 : i64, scratch_operands = 3 : i64, tpu.core_type = #tpu.core_type<sc_vector_subcore>, window_params = [{transform_indices = #map}, {transform_indices = #map1}, {transform_indices = #map}]} {
    %mul3A = arith.constant 2 : i32
    %mul3A_0 = arith.muli %arg1, %mul3A : i32
    %add3A = arith.addi %mul3A_0, %arg0 : i32
    %mul3A_1 = arith.constant 256 : i32
    %mul3A_2 = arith.muli %add3A, %mul3A_1 : i32
    "tpu.region"() ({
      %run_scoped3A = tpu.sem_alloc : memref<!tpu.dma_semaphore, #tpu.memory_space<semaphore_mem>>
      %dma_start3A_7 = tpu.memref_slice %arg3[%mul3A_2] : memref<8192xi32, #tpu.memory_space<hbm>> -> memref<256xi32, #tpu.memory_space<hbm>>
      %dma_start3A_8 = tpu.memref_slice %arg3[%mul3A_2] : memref<8192xi32, #tpu.memory_space<hbm>> -> memref<256xi32, #tpu.memory_space<hbm>>
      tpu.enqueue_dma source(%dma_start3A_8 : memref<256xi32, #tpu.memory_space<hbm>>) target(%arg5 : memref<256xi32, #tpu.memory_space<vmem>>) target_semaphore(%run_scoped3A : memref<!tpu.dma_semaphore, #tpu.memory_space<semaphore_mem>>)
      %dma_wait3A_9 = tpu.memref_slice %arg3[%mul3A_2] : memref<8192xi32, #tpu.memory_space<hbm>> -> memref<256xi32, #tpu.memory_space<hbm>>
      %dma_wait3A_10 = tpu.memref_slice %arg3[%mul3A_2] : memref<8192xi32, #tpu.memory_space<hbm>> -> memref<256xi32, #tpu.memory_space<hbm>>
      tpu.wait_dma2 semaphore(%run_scoped3A : memref<!tpu.dma_semaphore, #tpu.memory_space<semaphore_mem>>) src(%dma_wait3A_10 : memref<256xi32, #tpu.memory_space<hbm>>) dst(%arg5 : memref<256xi32, #tpu.memory_space<vmem>>)
      tpu.yield
    }) : () -> ()
    %dma_start3A = arith.constant 0 : i32
    %dma_start3A_3 = arith.constant 0 : i32
    %dma_start3A_4 = tpu.memref_slice %arg2[%dma_start3A, %dma_start3A_3] : memref<8192x128xf32, #tpu.memory_space<hbm>> -> memref<8192x128xf32, #tpu.memory_space<hbm>>
    tpu.enqueue_indirect_dma source(%dma_start3A_4 : memref<8192x128xf32, #tpu.memory_space<hbm>>) target(%arg6 : memref<256x128xf32, #tpu.memory_space<vmem>>) offsets(%arg5 : memref<256xi32, #tpu.memory_space<vmem>>) semaphore(%arg7 : memref<!tpu.dma_semaphore, #tpu.memory_space<semaphore_mem>>)
    %dma_wait3A = arith.constant 0 : i32
    %dma_wait3A_5 = arith.constant 0 : i32
    %dma_wait3A_6 = tpu.memref_slice %arg2[%dma_wait3A, %dma_wait3A_5] : memref<8192x128xf32, #tpu.memory_space<hbm>> -> memref<8192x128xf32, #tpu.memory_space<hbm>>
    tpu.wait_indirect_dma semaphore(%arg7 : memref<!tpu.dma_semaphore, #tpu.memory_space<semaphore_mem>>) src(%dma_wait3A_6 : memref<8192x128xf32, #tpu.memory_space<hbm>>) dst(%arg6 : memref<256x128xf32, #tpu.memory_space<vmem>>)
    "tpu.region"() ({
      %run_scoped3A = tpu.sem_alloc : memref<!tpu.dma_semaphore, #tpu.memory_space<semaphore_mem>>
      %dma_start3A_7 = arith.constant 0 : i32
      %dma_start3A_8 = tpu.memref_slice %arg4[%mul3A_2, %dma_start3A_7] : memref<8192x128xf32, #tpu.memory_space<hbm>> -> memref<256x128xf32, #tpu.memory_space<hbm>>
      %dma_start3A_9 = arith.constant 0 : i32
      %dma_start3A_10 = tpu.memref_slice %arg4[%mul3A_2, %dma_start3A_9] : memref<8192x128xf32, #tpu.memory_space<hbm>> -> memref<256x128xf32, #tpu.memory_space<hbm>>
      tpu.enqueue_dma source(%arg6 : memref<256x128xf32, #tpu.memory_space<vmem>>) target(%dma_start3A_10 : memref<256x128xf32, #tpu.memory_space<hbm>>) target_semaphore(%run_scoped3A : memref<!tpu.dma_semaphore, #tpu.memory_space<semaphore_mem>>)
      %dma_wait3A_11 = arith.constant 0 : i32
      %dma_wait3A_12 = tpu.memref_slice %arg4[%mul3A_2, %dma_wait3A_11] : memref<8192x128xf32, #tpu.memory_space<hbm>> -> memref<256x128xf32, #tpu.memory_space<hbm>>
      %dma_wait3A_13 = arith.constant 0 : i32
      %dma_wait3A_14 = tpu.memref_slice %arg4[%mul3A_2, %dma_wait3A_13] : memref<8192x128xf32, #tpu.memory_space<hbm>> -> memref<256x128xf32, #tpu.memory_space<hbm>>
      tpu.wait_dma2 semaphore(%run_scoped3A : memref<!tpu.dma_semaphore, #tpu.memory_space<semaphore_mem>>) src(%arg6 : memref<256x128xf32, #tpu.memory_space<vmem>>) dst(%dma_wait3A_14 : memref<256x128xf32, #tpu.memory_space<hbm>>)
      tpu.yield
    }) : () -> ()
    return
  }
}

module attributes {stable_mosaic.version = 14 : i64} {
  func.func @_argmin_body(%arg0: i32, %arg1: memref<256x32xf32, #tpu.memory_space<vmem>>, %arg2: memref<32x8192xf32, #tpu.memory_space<vmem>>, %arg3: memref<256x1xf32, #tpu.memory_space<vmem>>, %arg4: memref<1x8192xf32, #tpu.memory_space<vmem>>, %arg5: memref<1x1x256xi32, #tpu.memory_space<vmem>>) attributes {dimension_semantics = [#tpu.dimension_semantics<arbitrary>], iteration_bounds = array<i64: 32>, scalar_prefetch = 0 : i64, scratch_operands = 0 : i64, tpu.core_type = #tpu.core_type<tc>, window_params = [{transform_indices = @transform_0, window_bounds = array<i64: 256, 32>}, {pipeline_mode = #tpu.pipeline_mode<synchronous>, transform_indices = @transform_1, window_bounds = array<i64: 32, 8192>}, {transform_indices = @transform_2, window_bounds = array<i64: 256, 1>}, {pipeline_mode = #tpu.pipeline_mode<synchronous>, transform_indices = @transform_3, window_bounds = array<i64: 1, 8192>}, {transform_indices = @transform_4, window_bounds = array<i64: 1, 1, 256>}]} {
    %get3A = arith.constant 0 : index
    %get3A_0 = arith.constant 0 : index
    %get3A_1 = vector.load %arg1[%get3A, %get3A_0] : memref<256x32xf32, #tpu.memory_space<vmem>>, vector<256x32xf32>
    %get3A_2 = arith.constant 0 : index
    %get3A_3 = arith.constant 0 : index
    %get3A_4 = vector.load %arg2[%get3A_2, %get3A_3] : memref<32x8192xf32, #tpu.memory_space<vmem>>, vector<32x8192xf32>
    %dot_general3A = arith.constant dense<0.000000e+00> : vector<256x8192xf32>
    %dot_general3A_5 = tpu.matmul %get3A_1, %get3A_4, %dot_general3A {dimension_numbers = #tpu.dot_dimension_numbers<[1], [0], [0], [1], [0, 0, 1, 1], [], []>, transpose_lhs_hint = false} : vector<256x32xf32>, vector<32x8192xf32>, vector<256x8192xf32> -> vector<256x8192xf32>
    %get3A_6 = arith.constant 0 : index
    %get3A_7 = arith.constant 0 : index
    %get3A_8 = vector.load %arg3[%get3A_6, %get3A_7] : memref<256x1xf32, #tpu.memory_space<vmem>>, vector<256x1xf32>
    %add3A = vector.broadcast %get3A_8 : vector<256x1xf32> to vector<256x8192xf32>
    %add3A_9 = arith.addf %add3A, %dot_general3A_5 : vector<256x8192xf32>
    %get3A_10 = arith.constant 0 : index
    %get3A_11 = arith.constant 0 : index
    %get3A_12 = vector.load %arg4[%get3A_10, %get3A_11] : memref<1x8192xf32, #tpu.memory_space<vmem>>, vector<1x8192xf32>
    %add3A_13 = vector.broadcast %get3A_12 : vector<1x8192xf32> to vector<256x8192xf32>
    %add3A_14 = arith.addf %add3A_9, %add3A_13 : vector<256x8192xf32>
    %slice3A = vector.extract_strided_slice %add3A_14 {offsets = [0, 0], sizes = [256, 2048], strides = [1, 1]} : vector<256x8192xf32> to vector<256x2048xf32>
    %reduce_min3A = arith.constant dense<0x7F800000> : vector<256xf32>
    %reduce_min3A_15 = vector.multi_reduction <minimumf>, %slice3A, %reduce_min3A [1] : vector<256x2048xf32> to vector<256xf32>
    %argmin3A = tpu.reduce_index %slice3A {axis = 1 : i32, kind = #tpu.reduction_kind<arg_min>} : vector<256x2048xf32> -> vector<256xi32>
    %add3A_16 = arith.constant 0 : i32
    %add3A_17 = vector.broadcast %add3A_16 : i32 to vector<256xi32>
    %add3A_18 = arith.addi %argmin3A, %add3A_17 : vector<256xi32>
    %convert_element_type3A = arith.truncf %reduce_min3A_15 : vector<256xf32> to vector<256xbf16>
    %convert_element_type3A_19 = arith.extf %convert_element_type3A : vector<256xbf16> to vector<256xf32>
    %slice3A_20 = vector.extract_strided_slice %add3A_14 {offsets = [0, 2048], sizes = [256, 2048], strides = [1, 1]} : vector<256x8192xf32> to vector<256x2048xf32>
    %reduce_min3A_21 = arith.constant dense<0x7F800000> : vector<256xf32>
    %reduce_min3A_22 = vector.multi_reduction <minimumf>, %slice3A_20, %reduce_min3A_21 [1] : vector<256x2048xf32> to vector<256xf32>
    %argmin3A_23 = tpu.reduce_index %slice3A_20 {axis = 1 : i32, kind = #tpu.reduction_kind<arg_min>} : vector<256x2048xf32> -> vector<256xi32>
    %add3A_24 = arith.constant 2048 : i32
    %add3A_25 = vector.broadcast %add3A_24 : i32 to vector<256xi32>
    %add3A_26 = arith.addi %argmin3A_23, %add3A_25 : vector<256xi32>
    %lt3A = arith.cmpf olt, %reduce_min3A_22, %convert_element_type3A_19 : vector<256xf32>
    %select_n3A = arith.select %lt3A, %reduce_min3A_22, %convert_element_type3A_19 : vector<256xi1>, vector<256xf32>
    %convert_element_type3A_27 = arith.truncf %select_n3A : vector<256xf32> to vector<256xbf16>
    %convert_element_type3A_28 = arith.extf %convert_element_type3A_27 : vector<256xbf16> to vector<256xf32>
    %select_n3A_29 = arith.select %lt3A, %add3A_26, %add3A_18 : vector<256xi1>, vector<256xi32>
    %slice3A_30 = vector.extract_strided_slice %add3A_14 {offsets = [0, 4096], sizes = [256, 2048], strides = [1, 1]} : vector<256x8192xf32> to vector<256x2048xf32>
    %reduce_min3A_31 = arith.constant dense<0x7F800000> : vector<256xf32>
    %reduce_min3A_32 = vector.multi_reduction <minimumf>, %slice3A_30, %reduce_min3A_31 [1] : vector<256x2048xf32> to vector<256xf32>
    %argmin3A_33 = tpu.reduce_index %slice3A_30 {axis = 1 : i32, kind = #tpu.reduction_kind<arg_min>} : vector<256x2048xf32> -> vector<256xi32>
    %add3A_34 = arith.constant 4096 : i32
    %add3A_35 = vector.broadcast %add3A_34 : i32 to vector<256xi32>
    %add3A_36 = arith.addi %argmin3A_33, %add3A_35 : vector<256xi32>
    %lt3A_37 = arith.cmpf olt, %reduce_min3A_32, %convert_element_type3A_28 : vector<256xf32>
    %select_n3A_38 = arith.select %lt3A_37, %reduce_min3A_32, %convert_element_type3A_28 : vector<256xi1>, vector<256xf32>
    %convert_element_type3A_39 = arith.truncf %select_n3A_38 : vector<256xf32> to vector<256xbf16>
    %convert_element_type3A_40 = arith.extf %convert_element_type3A_39 : vector<256xbf16> to vector<256xf32>
    %select_n3A_41 = arith.select %lt3A_37, %add3A_36, %select_n3A_29 : vector<256xi1>, vector<256xi32>
    %slice3A_42 = vector.extract_strided_slice %add3A_14 {offsets = [0, 6144], sizes = [256, 2048], strides = [1, 1]} : vector<256x8192xf32> to vector<256x2048xf32>
    %reduce_min3A_43 = arith.constant dense<0x7F800000> : vector<256xf32>
    %reduce_min3A_44 = vector.multi_reduction <minimumf>, %slice3A_42, %reduce_min3A_43 [1] : vector<256x2048xf32> to vector<256xf32>
    %argmin3A_45 = tpu.reduce_index %slice3A_42 {axis = 1 : i32, kind = #tpu.reduction_kind<arg_min>} : vector<256x2048xf32> -> vector<256xi32>
    %add3A_46 = arith.constant 6144 : i32
    %add3A_47 = vector.broadcast %add3A_46 : i32 to vector<256xi32>
    %add3A_48 = arith.addi %argmin3A_45, %add3A_47 : vector<256xi32>
    %lt3A_49 = arith.cmpf olt, %reduce_min3A_44, %convert_element_type3A_40 : vector<256xf32>
    %select_n3A_50 = arith.select %lt3A_49, %add3A_48, %select_n3A_41 : vector<256xi1>, vector<256xi32>
    %reshape3A = vector.shape_cast %select_n3A_50 : vector<256xi32> to vector<1x1x256xi32>
    %swap3A = arith.constant 0 : index
    %swap3A_51 = arith.constant 0 : index
    %swap3A_52 = arith.constant 0 : index
    %swap3A_53 = vector.load %arg5[%swap3A, %swap3A_51, %swap3A_52] : memref<1x1x256xi32, #tpu.memory_space<vmem>>, vector<1x1x256xi32>
    tpu.vector_store %arg5[%swap3A, %swap3A_51, %swap3A_52], %reshape3A {strides = array<i32>} : memref<1x1x256xi32, #tpu.memory_space<vmem>>, vector<1x1x256xi32>,
    return
  }
  func.func @transform_0(%arg0: i32) -> (i32, i32) {
    %c0_i32 = arith.constant 0 : i32
    %c0_i32_0 = arith.constant 0 : i32
    return %arg0, %c0_i32 : i32, i32
  }
  func.func @transform_1(%arg0: i32) -> (i32, i32) {
    %c0_i32 = arith.constant 0 : i32
    %c0_i32_0 = arith.constant 0 : i32
    %c0_i32_1 = arith.constant 0 : i32
    return %c0_i32, %c0_i32_0 : i32, i32
  }
  func.func @transform_2(%arg0: i32) -> (i32, i32) {
    %c0_i32 = arith.constant 0 : i32
    %c0_i32_0 = arith.constant 0 : i32
    return %arg0, %c0_i32 : i32, i32
  }
  func.func @transform_3(%arg0: i32) -> (i32, i32) {
    %c0_i32 = arith.constant 0 : i32
    %c0_i32_0 = arith.constant 0 : i32
    %c0_i32_1 = arith.constant 0 : i32
    return %c0_i32, %c0_i32_0 : i32, i32
  }
  func.func @transform_4(%arg0: i32) -> (i32, i32, i32) {
    %c0_i32 = arith.constant 0 : i32
    %c0_i32_0 = arith.constant 0 : i32
    %c0_i32_1 = arith.constant 0 : i32
    return %arg0, %c0_i32, %c0_i32_0 : i32, i32, i32
  }
}

module attributes {stable_mosaic.version = 14 : i64} {
  func.func @_epilogue_body(%arg0: memref<8192x32xf32, #tpu.memory_space<vmem>>, %arg1: memref<8192x128xf32, #tpu.memory_space<vmem>>, %arg2: memref<8x1024xf32, #tpu.memory_space<vmem>>, %arg3: memref<8192x32xf32, #tpu.memory_space<vmem>>, %arg4: memref<1x1xf32, #tpu.memory_space<vmem>>, %arg5: memref<1x1xf32, #tpu.memory_space<vmem>>) attributes {dimension_semantics = [], scalar_prefetch = 0 : i64, scratch_operands = 0 : i64, tpu.core_type = #tpu.core_type<tc>} {
    %get3A = arith.constant 0 : index
    %get3A_0 = arith.constant 0 : index
    %get3A_1 = vector.load %arg0[%get3A, %get3A_0] : memref<8192x32xf32, #tpu.memory_space<vmem>>, vector<8192x32xf32>
    %get3A_2 = arith.constant 0 : index
    %get3A_3 = arith.constant 0 : index
    %get3A_4 = vector.load %arg1[%get3A_2, %get3A_3] : memref<8192x128xf32, #tpu.memory_space<vmem>>, vector<8192x32xf32>
    %sub3A = arith.subf %get3A_4, %get3A_1 : vector<8192x32xf32>
    %add3A = arith.addf %get3A_1, %sub3A : vector<8192x32xf32>
    %swap3A = arith.constant 0 : index
    %swap3A_5 = arith.constant 0 : index
    %swap3A_6 = vector.load %arg3[%swap3A, %swap3A_5] : memref<8192x32xf32, #tpu.memory_space<vmem>>, vector<8192x32xf32>
    tpu.vector_store %arg3[%swap3A, %swap3A_5], %add3A {strides = array<i32>} : memref<8192x32xf32, #tpu.memory_space<vmem>>, vector<8192x32xf32>,
    %mul3A = arith.mulf %sub3A, %sub3A : vector<8192x32xf32>
    %reduce_sum3A = vector.shape_cast %mul3A : vector<8192x32xf32> to vector<1x8192x32xf32>
    %reduce_sum3A_7 = arith.constant dense<0.000000e+00> : vector<1xf32>
    %reduce_sum3A_8 = vector.multi_reduction <add>, %reduce_sum3A, %reduce_sum3A_7 [1, 2] : vector<1x8192x32xf32> to vector<1xf32>
    %reduce_sum3A_9 = vector.shape_cast %reduce_sum3A_8 : vector<1xf32> to vector<1x1x1xf32>
    %reduce_sum3A_10 = vector.extract %reduce_sum3A_9[0, 0, 0] : f32 from vector<1x1x1xf32>
    %div3A = arith.constant 2.621440e+05 : f32
    %div3A_11 = arith.divf %reduce_sum3A_10, %div3A : f32
    %mul3A_12 = arith.constant 2.500000e-01 : f32
    %mul3A_13 = arith.mulf %mul3A_12, %div3A_11 : f32
    %add3A_14 = arith.addf %div3A_11, %mul3A_13 : f32
    %reshape3A = vector.broadcast %add3A_14 : f32 to vector<1x1xf32>
    %swap3A_15 = arith.constant 0 : index
    %swap3A_16 = arith.constant 0 : index
    %swap3A_17 = vector.load %arg4[%swap3A_15, %swap3A_16] : memref<1x1xf32, #tpu.memory_space<vmem>>, vector<1x1xf32>
    tpu.vector_store %arg4[%swap3A_15, %swap3A_16], %reshape3A {strides = array<i32>} : memref<1x1xf32, #tpu.memory_space<vmem>>, vector<1x1xf32>,
    %get3A_18 = arith.constant 0 : index
    %get3A_19 = arith.constant 0 : index
    %get3A_20 = vector.load %arg2[%get3A_18, %get3A_19] : memref<8x1024xf32, #tpu.memory_space<vmem>>, vector<8x1024xf32>
    %iota3A = tpu.iota {dimensions = array<i32: 0>} : vector<8x1024xi32>
    %iota3A_21 = tpu.iota {dimensions = array<i32: 1>} : vector<8x1024xi32>
    %mul3A_22 = arith.constant 1024 : i32
    %mul3A_23 = vector.broadcast %mul3A_22 : i32 to vector<8x1024xi32>
    %mul3A_24 = arith.muli %iota3A, %mul3A_23 : vector<8x1024xi32>
    %add3A_25 = arith.addi %mul3A_24, %iota3A_21 : vector<8x1024xi32>
    %eq3A = arith.constant 3 : i32
    %eq3A_26 = vector.broadcast %eq3A : i32 to vector<8x1024xi32>
    %eq3A_27 = arith.cmpi eq, %add3A_25, %eq3A_26 : vector<8x1024xi32>
    %eq3A_28 = arith.constant 2 : i32
    %eq3A_29 = vector.broadcast %eq3A_28 : i32 to vector<8x1024xi32>
    %eq3A_30 = arith.cmpi eq, %add3A_25, %eq3A_29 : vector<8x1024xi32>
    %or3A = arith.ori %eq3A_27, %eq3A_30 : vector<8x1024xi1>
    %jit3A = arith.constant 0.000000e+00 : f32
    %broadcast_in_dim3A = vector.broadcast %jit3A : f32 to vector<8x1024xf32>
    %select_n3A = arith.select %or3A, %broadcast_in_dim3A, %get3A_20 : vector<8x1024xi1>, vector<8x1024xf32>
    %max3A = arith.constant 9.99999974E-6 : f32
    %max3A_31 = vector.broadcast %max3A : f32 to vector<8x1024xf32>
    %max3A_32 = arith.maximumf %select_n3A, %max3A_31 : vector<8x1024xf32>
    %reduce_sum3A_33 = vector.shape_cast %max3A_32 : vector<8x1024xf32> to vector<1x8x1024xf32>
    %reduce_sum3A_34 = arith.constant dense<0.000000e+00> : vector<1xf32>
    %reduce_sum3A_35 = vector.multi_reduction <add>, %reduce_sum3A_33, %reduce_sum3A_34 [1, 2] : vector<1x8x1024xf32> to vector<1xf32>
    %reduce_sum3A_36 = vector.shape_cast %reduce_sum3A_35 : vector<1xf32> to vector<1x1x1xf32>
    %reduce_sum3A_37 = vector.extract %reduce_sum3A_36[0, 0, 0] : f32 from vector<1x1x1xf32>
    %add3A_38 = arith.constant 9.99999974E-6 : f32
    %add3A_39 = arith.addf %reduce_sum3A_37, %add3A_38 : f32
    %div3A_40 = vector.broadcast %add3A_39 : f32 to vector<8x1024xf32>
    %div3A_41 = arith.divf %max3A_32, %div3A_40 : vector<8x1024xf32>
    %log3A = math.log %div3A_41 : vector<8x1024xf32>
    %mul3A_42 = arith.mulf %div3A_41, %log3A : vector<8x1024xf32>
    %reduce_sum3A_43 = vector.shape_cast %mul3A_42 : vector<8x1024xf32> to vector<1x8x1024xf32>
    %reduce_sum3A_44 = arith.constant dense<0.000000e+00> : vector<1xf32>
    %reduce_sum3A_45 = vector.multi_reduction <add>, %reduce_sum3A_43, %reduce_sum3A_44 [1, 2] : vector<1x8x1024xf32> to vector<1xf32>
    %reduce_sum3A_46 = vector.shape_cast %reduce_sum3A_45 : vector<1xf32> to vector<1x1x1xf32>
    %reduce_sum3A_47 = vector.extract %reduce_sum3A_46[0, 0, 0] : f32 from vector<1x1x1xf32>
    %neg3A = arith.constant 0.000000e+00 : f32
    %neg3A_48 = arith.subf %neg3A, %reduce_sum3A_47 : f32
    %exp3A = math.exp %neg3A_48 : f32
    %reshape3A_49 = vector.broadcast %exp3A : f32 to vector<1x1xf32>
    %swap3A_50 = arith.constant 0 : index
    %swap3A_51 = arith.constant 0 : index
    %swap3A_52 = vector.load %arg5[%swap3A_50, %swap3A_51] : memref<1x1xf32, #tpu.memory_space<vmem>>, vector<1x1xf32>
    tpu.vector_store %arg5[%swap3A_50, %swap3A_51], %reshape3A_49 {strides = array<i32>} : memref<1x1xf32, #tpu.memory_space<vmem>>, vector<1x1xf32>,
    return
  }
}

</mosaic_0001>

<sc_bundles>
// kernel: kernel.5.cloned.1.call-start
scs
__scs_entry_jumppad:
0x0: {  	(pc) =	sbr.rel $0x88, $3  }
0x1: {  	(tag) =	ssettag $0x0;
	lr =	simm.s32 $0x1  }
0x2: {  	[smem:$0x3F9E] =	sst lr;
	_ =	strace $0xD0000000  }
0x3: {  	_ = 	snop  }
0x4: {  	_ = 	snop  }
0x5: {  	_ = 	snop  }
0x6: {  	_ = 	snop  }
0x7: {  	_ = 	snop  }
__scs_overlays_trampoline_lowered:
0x8: {  	[smem:$0x3FAD] =	sst s0  }
0x9: {  	[smem:$0x3FAE] =	sst s1  }
0xa: {  	[smem:$0x3FAF] =	sst s2  }
0xb: {  	[smem:$0x3FB0] =	sst s3  }
0xc: {  	[smem:$0x3FB1] =	sst s4  }
0xd: {  	[smem:$0x3FB2] =	sst s5  }
0xe: {  	[smem:$0x3FB3] =	sst s6  }
0xf: {  	[smem:$0x3FB4] =	sst s7  }
0x10: {  	[smem:$0x3FB5] =	sst s8  }
0x11: {  	[smem:$0x3FB6] =	sst s9;
	s0 =	simm.s32 @!p0 $0x0  }
0x12: {  	s1 =	sld [smem:$0x3F9C];
	s0 =	simm.s32 @p0 $0x1  }
0x13: {  	[smem:$0x3FB7] =	sst s0;
	s0 =	simm.s32 @!p1 $0x0  }
0x14: {  	s2 =	sld [smem:$0x3F9B];
	s0 =	simm.s32 @p1 $0x1  }
0x15: {  	[smem:$0x3FB8] =	sst s0;
	s0 =	simm.s32 @!p2 $0x0  }
0x16: {  	s3 =	sld [smem:$0x3FDB];
	s0 =	simm.s32 @p2 $0x1  }
0x17: {  	s4 =	simm.s32 $0x1BF5;
	[smem:$0x3FBA] =	sst s0  }
0x18: {  	s0 =	sld [smem:$0x3F9D];
	_ =	swait.ge [sflag:s4], $0x0  }
0x19: {  	s7 =	sld [smem:$0x3F9E]  }
0x1a: {  	s8 =	sadd.s32 $0xFFFFE003, lr  }
0x1b: {  	s9 =	sadd.s32 $0xFFFFFEF7, lr;
	s5 =	simm.s32 $0xFFFFFFFF;
	p2 =	slt.u32 s8, $0xFFFFF086  }
0x1c: {  	p1 =	slt.u32 s9, $0xF7A;
	s5 =	simm.s32 @!p2 $0x0  }
0x1d: {  	s5 =	simm.s32 @p1 $0x1;
	p0 =	seq.s32 s7, s2  }
0x1e: {  	s7 =	smul.u32 @!p0 $0xF7A, s2;
	p2 =	seq.s32 @!p0 s5, $0x0  }
0x1f: {  	s9 =	smul.u32 $0xF7A, s1;
	s8 =	simm.s32 @!p0 $0x1BF5;
	p2 =	por !p2, p0  }
0x20: {  	[sflag:s8] =	ssyncset.s32 @!p0 $0xFFFFF086;
	s6 =	sadd.s32 @!p0 s3, s7;
	s7 =	simm.s32 @!p0 $0x108  }
0x21: {  	s3 =	sadd.s32 s3, s9;
	s6 =	sadd.s32 @!p0 $0x88, s6;
	s7 =	simm.s32 @p2 $0x1082  }
0x22: {  	[simem:s7], [sflag:s8] =	dma.local @!p0 [hbm:s6], $0xF7A  }
0x23: {  	s9 =	sor.u32 $0xD0000000, s2;
	s6 =	simm.s32 $0x108;
	_ =	swait.ge @!p0 [sflag:s8], $0x0  }
0x24: {  	s3 =	sadd.s32 $0x88, s3;
	s6 =	simm.s32 @!p1 $0x1082;
	[sflag:s4] =	ssyncset.s32 $0xFFFFF086  }
0x25: {  	[simem:s6], [sflag:s4] =	dma.local [hbm:s3], $0xF7A  }
0x26: {  	[smem:$0x3F9E] =	sst s1;
	(tag) =	ssettag s2;
	_ =	strace s9  }
0x27: {  	s1 =	sld [smem:$0x3FAE]  }
0x28: {  	s2 =	sld [smem:$0x3FAF]  }
0x29: {  	s4 =	sld [smem:$0x3FB1]  }
0x2a: {  	p0 =	seq.s32 s5, $0x0;
	s5 =	sld [smem:$0x3FB2]  }
0x2b: {  	s6 =	sld [smem:$0x3FB3]  }
0x2c: {  	s7 =	sld [smem:$0x3FB4]  }
0x2d: {  	s3 =	simm.s32 $0x108;
	s8 =	sld [smem:$0x3FB5]  }
0x2e: {  	s3 =	simm.s32 @!p0 $0x1082;
	s9 =	sld [smem:$0x3FB6]  }
0x2f: {  	lr =	sadd.s32 s0, s3;
	s0 =	sld [smem:$0x3FAD]  }
0x30: {  	s3 =	sld [smem:$0x3FB0]  }
0x31: {  	[smem:$0x3FB9] =	sst s10  }
0x32: {  	s10 =	sld [smem:$0x3FB7];
	_ =	sdelay $0x3  }
0x33: {  	p0 =	seq.s32 s10, $0x1;
	s10 =	sld [smem:$0x3FB9];
	_ =	sdelay $0x3  }
0x34: {  	[smem:$0x3FB9] =	sst s10  }
0x35: {  	s10 =	sld [smem:$0x3FB8];
	_ =	sdelay $0x3  }
0x36: {  	p1 =	seq.s32 s10, $0x1;
	s10 =	sld [smem:$0x3FB9];
	_ =	sdelay $0x3  }
0x37: {  	[smem:$0x3FB9] =	sst s10  }
0x38: {  	s10 =	sld [smem:$0x3FBA]  }
0x39: {  	_ = 	snop;
	(pc) =	sbr.ind lr, $3  }
0x3a: {  	_ = 	snop  }
0x3b: {  	_ = 	snop  }
0x3c: {  	p2 =	seq.s32 s10, $0x1;
	s10 =	sld [smem:$0x3FB9]  }
0x3d: {  	_ =	shalt  }
0x3e: {  	_ =	shalt  }
0x3f: {  	_ =	shalt  }
0x40: {  	_ =	shalt  }
0x41: {  	_ =	shalt  }
0x42: {  	_ =	shalt  }
0x43: {  	_ =	shalt  }
0x44: {  	_ =	shalt  }
0x45: {  	_ =	shalt  }
0x46: {  	_ =	shalt  }
0x47: {  	_ =	shalt  }
0x48: {  	_ =	shalt  }
0x49: {  	_ =	shalt  }
0x4a: {  	_ =	shalt  }
0x4b: {  	_ =	shalt  }
0x4c: {  	_ =	shalt  }
0x4d: {  	_ =	shalt  }
0x4e: {  	_ =	shalt  }
0x4f: {  	_ =	shalt  }
0x50: {  	_ =	shalt  }
0x51: {  	_ =	shalt  }
0x52: {  	_ =	shalt  }
0x53: {  	_ =	shalt  }
0x54: {  	_ =	shalt  }
0x55: {  	_ =	shalt  }
0x56: {  	_ =	shalt  }
0x57: {  	_ =	shalt  }
0x58: {  	_ =	shalt  }
0x59: {  	_ =	shalt  }
0x5a: {  	_ =	shalt  }
0x5b: {  	_ =	shalt  }
0x5c: {  	_ =	shalt  }
0x5d: {  	_ =	shalt  }
0x5e: {  	_ =	shalt  }
0x5f: {  	_ =	shalt  }
0x60: {  	_ =	shalt  }
0x61: {  	_ =	shalt  }
0x62: {  	_ =	shalt  }
0x63: {  	_ =	shalt  }
0x64: {  	_ =	shalt  }
0x65: {  	_ =	shalt  }
0x66: {  	_ =	shalt  }
0x67: {  	_ =	shalt  }
0x68: {  	_ =	shalt  }
0x69: {  	_ =	shalt  }
0x6a: {  	_ =	shalt  }
0x6b: {  	_ =	shalt  }
0x6c: {  	_ =	shalt  }
0x6d: {  	_ =	shalt  }
0x6e: {  	_ =	shalt  }
0x6f: {  	_ =	shalt  }
0x70: {  	_ =	shalt  }
0x71: {  	_ =	shalt  }
0x72: {  	_ =	shalt  }
0x73: {  	_ =	shalt  }
0x74: {  	_ =	shalt  }
0x75: {  	_ =	shalt  }
0x76: {  	_ =	shalt  }
0x77: {  	_ =	shalt  }
0x78: {  	_ =	shalt  }
0x79: {  	_ =	shalt  }
0x7a: {  	_ =	shalt  }
0x7b: {  	_ =	shalt  }
0x7c: {  	_ =	shalt  }
0x7d: {  	_ =	shalt  }
0x7e: {  	_ =	shalt  }
0x7f: {  	_ =	shalt  }
0x80: {  	_ =	shalt  }
0x81: {  	_ =	shalt  }
0x82: {  	_ =	shalt  }
0x83: {  	_ =	shalt  }
0x84: {  	_ =	shalt  }
0x85: {  	_ =	shalt  }
0x86: {  	_ =	shalt  }
0x87: {  	_ =	shalt  }
.Lfunc_end0:
.L_simem_size_0:
called_computation_lowered:
.L_overlay_start_0:
0x88: {  	s2 =	sld [smem:$0x3FD9]  }
0x89: {  	s3 =	sld [smem:$0x3FFE];
	_ =	sdelay $0x1  }
0x8a: {  	s1 =	srdreg.scid  }
0x8b: {  	s0 =	sand.u32 $0x1, s1  }
0x8c: {  	s14 =	sshll.u32 s0, $0xA;
	s2 =	sadd.s32 s3, s2  }
0x8d: {  	s2 =	sadd.s32 s2, s14  }
0x8e: {  	[smem:$0x3FC5] =	sst s2  }
0x8f: {  	_ = 	snop  }
0x90: {  	s2 =	sld [smem:$0x3FD0];
	_ =	sdelay $0x2  }
0x91: {  	s15 =	simm.s32 $0xA;
	s4 =	simm.s32 $0x10  }
0x92: {  	[smem:s4], [sflag:s15] =	dma.local [hbm:s2], $0x1  }
0x93: {  	_ =	swait.eq [sflag:s15], $0x1  }
0x94: {  	[sflag:s15] =	ssyncset.done $0x0  }
0x95: {  	[sflag:s15] =	ssyncadd.s32 $0xFFFFFFFF  }
0x96: {  	s16 =	sld [smem:$0x10];
	(tm) =	ssettm $0x1  }
0x97: {  	s17 =	sld [smem:$0x3FFB];
	_ =	sdelay $0x3  }
0x98: {  	_ =	strace s17  }
0x99: {  	s3 =	sld [smem:$0x3FFC];
	_ =	sdelay $0x3  }
0x9a: {  	_ =	strace s3  }
0x9b: {  	s3 =	sld [smem:$0x3FFD];
	_ =	sdelay $0x3  }
0x9c: {  	_ =	strace s3  }
0x9d: {  	_ =	strace $0x8FFFFFFF  }
0x9e: {  	s18 =	sld [smem:$0x3FDB];
	_ =	sdelay $0x1  }
0x9f: {  	s19 =	simm.s32 $_scs_section_size  }
0xa0: {  	s5 =	simm.s32 $_size__tile_overlayer_lowered;
	s6 =	simm.s32 $_tile_overlayer_lowered  }
0xa1: {  	s22 =	simm.s32 $0x1BFF;
	s21 =	sshll.u32 s6, $0x1;
	s3 =	sadd.s32 s19, s18  }
0xa2: {  	s7 =	simm.s32 $0x0;
	s20 =	sshll.u32 s5, $0x1;
	s5 =	sadd.s32 s21, s3  }
0xa3: {  	[timem:s7], [sflag:s22] =	dma.local [hbm:s5], s20  }
0xa4: {  	_ =	swait.ge [sflag:s22], s20  }
0xa5: {  	s4 =	ssub.s32 $0x0, s20;
	[sflag:s22] =	ssyncset.done $0x0  }
0xa6: {  	[sflag:s22] =	ssyncadd.s32 s4;
	_ =	sdelay $0x1  }
0xa7: {  	s23 =	simm.s32 $0x1B8B  }
0xa8: {  	_ =	swait.ge [sflag:s23], $0x1  }
0xa9: {  	[sflag:s23] =	ssyncset.done $0x0  }
0xaa: {  	s25 =	simm.s32 $0x1B8E;
	s24 =	sld [smem:$0x3FFE];
	[sflag:s23] =	ssyncadd.s32 $0xFFFFFFFF  }
0xab: {  	s26 =	simm.s32 $execute0_lowered;
	[smem:$0x3FD2] =	sst s25  }
0xac: {  	s5 =	sshll.u32 s26, $0x1;
	_ =	strace $0x80000046;
	[dreg:$0x1] =	wrdreg $0xFFFFFFFF  }
0xad: {  	s28 =	simm.s32 $_size_execute0_lowered;
	s3 =	sadd.s32 s3, s5;
	[dreg:$0x0] =	wrdreg $0x0  }
0xae: {  	s5 =	sshll.u32 s28, $0x1;
	[dreg:$0x2] =	wrdreg s3  }
0xaf: {  	[dreg:$0x3] =	wrdreg s5  }
0xb0: {  	[dreg:$0x4] =	wrdreg $0xC0  }
0xb1: {  	_ =	task [dreg:s7], $0x5FFFF  }
0xb2: {  	[dreg:$0x1] =	wrdreg $0xFFFFFFFF  }
0xb3: {  	[dreg:$0x0] =	wrdreg $0x60  }
0xb4: {  	[dreg:$0x2] =	wrdreg s24  }
0xb5: {  	[dreg:$0x3] =	wrdreg s16  }
0xb6: {  	[dreg:$0x4] =	wrdreg $0x9  }
0xb7: {  	_ =	task.clear_ibuf [dreg:s7], $0x5FFFF;
	_ =	strace $0x90000046  }
0xb8: {  	s29 =	simm.s32 $0x9;
	_ =	strace $0x80000048  }
0xb9: {  	_ =	swait.ge [sflag:s29], $0x1  }
0xba: {  	[sflag:s29] =	ssyncadd.s32 $0xFFFFFFFF  }
0xbb: {  	_ =	strace $0x90000048  }
0xbc: {  	_ =	sfence  }
0xbd: {  	s30 =	sld [smem:$0x0];
	_ =	sdelay $0x2  }
0xbe: {  	s31 =	sshll.u32 s1, $0xD;
	s1 =	sshrl.u32 s1, $0x2  }
0xbf: {  	s3 =	sand.u32 $0x4000, s31;
	s1 =	sadd.s32 s1, s30  }
0xc0: {  	s0 =	sor.u32 s3, s0;
	s1 =	sshll.u32 s1, $0x11  }
0xc1: {  	s0 =	sor.u32 s1, s0  }
0xc2: {  	s0 =	sadd.s32 $0x8F2B, s0  }
0xc3: {  	[sflag:s0] =	ssyncadd.remote.s32 $0x1  }
0xc4: {  	_ =	sfence.sel $0xFFFF  }
0xc5: {  	[dreg:$0x0] =	wrdreg $0xFFFFFFFF;
	(pc) =	sbr.abs _section_cstart, $3  }
0xc6: {  	[dreg:$0x1] =	wrdreg $0xFFFFFFFF  }
0xc7: {  	_ =	task.clear_ibuf [dreg:s7], $0x2FFFF;
	_ =	strace $0x9FFFFFFF  }
0xc8: {  	(tm) =	ssettm $0x7FFFFFFF  }
0xc9: {  	_ =	shalt  }
tec
execute0_lowered:
.L_overlay_start_1:
0x0: {  	(tag) =	ssettag $0x1  }
0x1: {  	s1 =	srdreg.scid  }
0x2: {  	s8 =	rddreg [dreg:$0x0];
	s0 =	stileid.u32  }
0x3: {  	s3 =	rddreg [dreg:$0x1];
	s2 =	simm.s32 $0x0;
	s6 =	sand.u32 $0x1, s1  }
0x4: {  	s4 =	sshll.u32 s0, $0x9;
	s1 =	rddreg [dreg:$0x2];
	s5 =	sshll.u32 s6, $0x8  }
0x5: {  	s7 =	simm.s32 $0x1;
	[smem:$0x7FF] =	sst s2;
	s9 =	sor.u32 s5, s4  }
0x6: {  	_ =	strace $0x80000047;
	s10 =	ssub.s32 $0x2, s6;
	s4 =	sshrl.u32 s9, $0x3  }
0x7: {  	s6 =	simm.s32 $0x100;
	s4 =	sadd.s32 s3, s4;
	s3 =	simm.s32 $0x2  }
0x8: {  	[tilespmem:s2], [sflag:$0x2] =	stream.linear.gather [hbm4b:s4+s2], $0x100, $0x38;
	[tilespmem:$0x8100] =	vst v63  }
0x9: {  	s5 =	sadd.s32 $0x400, s8;
	s11 =	sshrl.u32 s10, $0x1;
	_ =	swait.ge [sflag:s3], $0x100  }
0xa: {  	s9 =	sshll.u32 s9, $0x4;
	s31 =	ssub.s32 s10, s11;
	[sflag:s3] =	ssyncset.done $0x0  }
0xb: {  	s8 =	sadd.s32 s9, s8;
	s9 =	smax.u32 s31, $0x1;
	[sflag:s3] =	ssyncadd.s32 $0xFFFFFF00  }
0xc: {  	[tilespmem:s6], [sflag:$0x1] =	stream.indirect.gather [hbm4b:s5+s6], $0x80, s2, s6, $0xb8;
	[tilespmem:$0x8100] =	vst v63  }
0xd: {  	p0 =	sne.s32 s9, $0x1;
	_ =	swait.ge [sflag:s7], $0x8000  }
.Ltmp0:
0xe: {  	[sflag:s7] =	ssyncset.done $0x0;
	(pc) =	sbr.rel @!p0 .LBB2_2-.Ltmp0, $4  }
0xf: {  	s8 =	sadd.s32 $0x20400, s8;
	[sflag:s7] =	ssyncadd.s32 $0xFFFF8000  }
0x10: {  	[hbm4b:s8+s2] =	stream.linear.scatter [tilespmem:s6], [sflag:$0x2], $0x8000, $0x38;
	[tilespmem:$0x8100] =	vst v63  }
0x11: {  	_ =	swait.ge [sflag:s3], $0x8000  }
0x12: {  	s9 =	sadd.s32 $0xFFFFFFFF, s9;
	[sflag:s3] =	ssyncset.done $0x0  }
.LBB2_1:
0x13: {  	p0 =	sne.s32 s9, $0x1;
	s9 =	sadd.s32 $0xFFFFFFFF, s9;
	[sflag:s3] =	ssyncadd.s32 $0xFFFF8000  }
0x14: {  	[tilespmem:s2], [sflag:$0x2] =	stream.linear.gather [hbm4b:s4+s2], $0x100, $0x38;
	[tilespmem:$0x8100] =	vst v63  }
0x15: {  	_ =	swait.ge [sflag:s3], $0x100  }
0x16: {  	[sflag:s3] =	ssyncset.done $0x0  }
0x17: {  	[sflag:s3] =	ssyncadd.s32 $0xFFFFFF00  }
0x18: {  	[tilespmem:s6], [sflag:$0x1] =	stream.indirect.gather [hbm4b:s5+s6], $0x80, s2, s6, $0xb8;
	[tilespmem:$0x8100] =	vst v63  }
0x19: {  	_ =	swait.ge [sflag:s7], $0x8000  }
.Ltmp1:
0x1a: {  	[sflag:s7] =	ssyncset.done $0x0;
	(pc) =	sbr.rel @p0 .LBB2_1-.Ltmp1, $4  }
0x1b: {  	[sflag:s7] =	ssyncadd.s32 $0xFFFF8000  }
0x1c: {  	[hbm4b:s8+s2] =	stream.linear.scatter [tilespmem:s6], [sflag:$0x2], $0x8000, $0x38;
	[tilespmem:$0x8100] =	vst v63  }
0x1d: {  	_ =	swait.ge [sflag:s3], $0x8000  }
0x1e: {  	[sflag:s3] =	ssyncset.done $0x0  }
.LBB2_2:
0x1f: {  	[sflag:s3] =	ssyncadd.s32 $0xFFFF8000  }
0x20: {  	_ =	sfence.sel $0x180000  }
0x21: {  	[bflag:$0x0] =	sbarrier.arrive $0xFFFF  }
0x22: {  	p0 =	sne.s32 s0, $0x0;
	_ =	strace $0x90000047  }
0x23: {  	s0 =	sadd.s32 @!p0 $0x100000, s1;
	[bflag:$0x2] =	sbarrier.arrive $0xFFFF  }
0x24: {  	[sflag:s0] =	ssyncadd.tile.s32 @!p0 $0x1;
	_ =	shalt  }
.Lfunc_end2:
_tile_overlayer_lowered:
.L_overlay_start_2:
0x25: {  	(tag) =	ssettag $0x2  }
0x26: {  	s0 =	rddreg [dreg:$0x0];
	s2 =	stileid.u32  }
0x27: {  	s1 =	rddreg [dreg:$0x1];
	p0 =	sne.s32 s2, $0x0  }
0x28: {  	s3 =	rddreg [dreg:$0x2];
	[bflag:$0x3] =	sbarrier.arrive $0xFFFF;
	s2 =	simm.s32 @!p0 $0x1C02  }
0x29: {  	[timem:s3], [sflag:s2] =	dma.local @!p0 [hbm:s0], s1  }
0x2a: {  	s0 =	simm.s32 @!p0 $0x2  }
0x2b: {  	_ =	swait.ge @!p0 [sflag:s0], s1  }
0x2c: {  	s1 =	ssub.s32 @!p0 $0x0, s1;
	[sflag:s0] =	ssyncset.done @!p0 $0x0  }
0x2d: {  	[sflag:s0] =	ssyncadd.s32 @!p0 s1  }
0x2e: {  	[bflag:$0x3] =	sbarrier.arrive $0xFFFF  }
0x2f: {  	_ =	shalt  }

</sc_bundles>
